<compile_context>
chip_gen: v7x
topology: tpu7x:2x2x1
jax: 0.10.2.dev20260603
libtpu: 0.0.44.dev20260713+nightly
codegen_flags: <defaults>
</compile_context>

<pallas_src>
import functools

import jax
import jax.numpy as jnp
from jax import lax
from jax.experimental import pallas as pl
from jax.experimental.pallas import tpu as pltpu
from jax.experimental.pallas import tpu_sc as plsc

EMBED = 32
LANES = 16
CHUNK = 128


@functools.cache
def _build_sc(batch):
    info = plsc.get_sparse_core_info()
    nw = info.num_cores * info.num_subcores
    bpw = batch // nw
    nchunk = bpw // CHUNK
    mesh = plsc.VectorSubcoreMesh(core_axis_name="c", subcore_axis_name="s")

    @functools.partial(
        pl.kernel,
        mesh=mesh,
        compiler_params=pltpu.CompilerParams(use_tc_tiling_on_sc=False),
        out_type=jax.ShapeDtypeStruct((nw, bpw, EMBED), jnp.float32),
        scratch_types=[
            pltpu.VMEM((nchunk, CHUNK), jnp.int32),
            pltpu.VMEM((nchunk, CHUNK), jnp.int32),
            pltpu.VMEM((bpw, EMBED), jnp.float32),
            pltpu.VMEM((bpw, EMBED), jnp.float32),
            pltpu.SemaphoreType.DMA,
        ],
    )
    def gather_mul(prod_hbm, user_hbm, ptab_hbm, utab_hbm, p_hbm,
                   pidx_v, uidx_v, arows_v, brows_v, sem):
        wid = lax.axis_index("s") * info.num_cores + lax.axis_index("c")
        pltpu.sync_copy(prod_hbm.at[wid], pidx_v)
        pltpu.sync_copy(user_hbm.at[wid], uidx_v)
        handles = []
        for j in range(nchunk):
            handles.append(pltpu.async_copy(
                ptab_hbm.at[pidx_v.at[j]], arows_v.at[pl.ds(j * CHUNK, CHUNK)], sem))
            handles.append(pltpu.async_copy(
                utab_hbm.at[uidx_v.at[j]], brows_v.at[pl.ds(j * CHUNK, CHUNK)], sem))
        for h in handles:
            h.wait()

        def mul_row(r, carry):
            for h in range(EMBED // LANES):
                sl = pl.ds(h * LANES, LANES)
                arows_v[r, sl] = arows_v[r, sl] * brows_v[r, sl]
            return carry

        lax.fori_loop(0, bpw, mul_row, 0)
        pltpu.sync_copy(arows_v, p_hbm.at[wid])

    return gather_mul


def _tc_reduce_body(p_ref, o_ref):
    o_ref[...] = jnp.sum(p_ref[...], axis=1)


@functools.cache
def _build_tc(batch):
    rows_per_block = 2048
    grid = batch // rows_per_block
    return pl.pallas_call(
        _tc_reduce_body,
        grid=(grid,),
        in_specs=[pl.BlockSpec((rows_per_block, EMBED), lambda i: (i, 0))],
        out_specs=pl.BlockSpec((rows_per_block,), lambda i: (i,)),
        out_shape=jax.ShapeDtypeStruct((batch,), jnp.float32),
    )


def kernel(products, users, product_embedding, user_embedding):
    batch = products.shape[0]
    info = plsc.get_sparse_core_info()
    nw = info.num_cores * info.num_subcores
    nchunk = batch // nw // CHUNK
    prod2 = products.astype(jnp.int32).reshape(nw, nchunk, CHUNK)
    user2 = users.astype(jnp.int32).reshape(nw, nchunk, CHUNK)
    p = _build_sc(batch)(prod2, user2, product_embedding, user_embedding)
    return _build_tc(batch)(p.reshape(batch, EMBED))

# --- scband reference (transcript-rebuilt; emitter-appended) ---
"""Pipeline reference for scband-bandit-mfsquare-35467839930862 (READ-ONLY COPY).

The authoritative reference and input builder live on the scoring server;
editing this copy changes nothing except your own understanding.
"""

import jax, jax.numpy as jnp
import numpy as np

NUM_PRODUCTS = 1000000
EMBED_DIM = 32
BATCH = 16384

def setup_inputs(seed: int = 0) -> dict:
    key = jax.random.key(seed)
    k1, k2, k3, k4 = jax.random.split(key, 4)
    products = jax.random.randint(k1, (BATCH,), 0, NUM_PRODUCTS, dtype=jnp.int64) if jax.config.jax_enable_x64 else jax.random.randint(k1, (BATCH,), 0, NUM_PRODUCTS, dtype=jnp.int32)
    users = jax.random.randint(k2, (BATCH,), 0, NUM_PRODUCTS, dtype=jnp.int64) if jax.config.jax_enable_x64 else jax.random.randint(k2, (BATCH,), 0, NUM_PRODUCTS, dtype=jnp.int32)
    # Learned parameters: two embedding tables (nn.Embedding default init ~ N(0,1))
    product_embedding = jax.random.normal(k3, (NUM_PRODUCTS, EMBED_DIM), dtype=jnp.float32)
    user_embedding = jax.random.normal(k4, (NUM_PRODUCTS, EMBED_DIM), dtype=jnp.float32)
    return {"products": products, "users": users, "product_embedding": product_embedding, "user_embedding": user_embedding}


def reference(products, users, product_embedding, user_embedding):
    # a = self.product_embedding(products); b = self.user_embedding(users)
    a = jnp.take(product_embedding, products, axis=0)
    b = jnp.take(user_embedding, users, axis=0)
    # torch.sum(a * b, dim=1)
    return jnp.sum(a * b, axis=1)

if __name__ == "__main__":
    import jax
    _d = setup_inputs()
    print(jax.jit(kernel)(*tuple(_d.values())))

</pallas_src>

<mosaic_0001>
#map = affine_map<(d0, d1) -> (0, 0, 0)>
#map1 = affine_map<(d0, d1) -> (0, 0)>
module attributes {stable_mosaic.version = 14 : i64} {
  func.func @gather_mul(%arg0: i32, %arg1: i32, %arg2: memref<32x4x128xi32, #tpu.memory_space<hbm>>, %arg3: memref<32x4x128xi32, #tpu.memory_space<hbm>>, %arg4: memref<1000000x32xf32, #tpu.memory_space<hbm>>, %arg5: memref<1000000x32xf32, #tpu.memory_space<hbm>>, %arg6: memref<32x512x32xf32, #tpu.memory_space<hbm>>, %arg7: memref<4x128xi32, #tpu.memory_space<vmem>>, %arg8: memref<4x128xi32, #tpu.memory_space<vmem>>, %arg9: memref<512x32xf32, #tpu.memory_space<vmem>>, %arg10: memref<512x32xf32, #tpu.memory_space<vmem>>, %arg11: memref<!tpu.dma_semaphore, #tpu.memory_space<semaphore_mem>>) attributes {dimension_semantics = [#tpu.dimension_semantics<core_parallel>, #tpu.dimension_semantics<subcore_parallel>], iteration_bounds = array<i64: 2, 16>, scalar_prefetch = 0 : i64, scratch_operands = 5 : i64, tpu.core_type = #tpu.core_type<sc_vector_subcore>, window_params = [{transform_indices = #map}, {transform_indices = #map}, {transform_indices = #map1}, {transform_indices = #map1}, {transform_indices = #map}]} {
    %mul3A = arith.constant 2 : i32
    %mul3A_0 = arith.muli %arg1, %mul3A : i32
    %add3A = arith.addi %mul3A_0, %arg0 : i32
    "tpu.region"() ({
      %run_scoped3A = tpu.sem_alloc : memref<!tpu.dma_semaphore, #tpu.memory_space<semaphore_mem>>
      %dma_start3A_164 = arith.constant 0 : i32
      %dma_start3A_165 = arith.constant 0 : i32
      %dma_start3A_166 = tpu.memref_slice %arg2[%add3A, %dma_start3A_164, %dma_start3A_165] : memref<32x4x128xi32, #tpu.memory_space<hbm>> -> memref<1x4x128xi32, #tpu.memory_space<hbm>>
      %dma_start3A_167 = tpu.memref_squeeze %dma_start3A_166 : memref<1x4x128xi32, #tpu.memory_space<hbm>> -> memref<4x128xi32, #tpu.memory_space<hbm>>
      %dma_start3A_168 = arith.constant 0 : i32
      %dma_start3A_169 = arith.constant 0 : i32
      %dma_start3A_170 = tpu.memref_slice %arg2[%add3A, %dma_start3A_168, %dma_start3A_169] : memref<32x4x128xi32, #tpu.memory_space<hbm>> -> memref<1x4x128xi32, #tpu.memory_space<hbm>>
      %dma_start3A_171 = tpu.memref_squeeze %dma_start3A_170 : memref<1x4x128xi32, #tpu.memory_space<hbm>> -> memref<4x128xi32, #tpu.memory_space<hbm>>
      tpu.enqueue_dma source(%dma_start3A_171 : memref<4x128xi32, #tpu.memory_space<hbm>>) target(%arg7 : memref<4x128xi32, #tpu.memory_space<vmem>>) target_semaphore(%run_scoped3A : memref<!tpu.dma_semaphore, #tpu.memory_space<semaphore_mem>>)
      %dma_wait3A_172 = arith.constant 0 : i32
      %dma_wait3A_173 = arith.constant 0 : i32
      %dma_wait3A_174 = tpu.memref_slice %arg2[%add3A, %dma_wait3A_172, %dma_wait3A_173] : memref<32x4x128xi32, #tpu.memory_space<hbm>> -> memref<1x4x128xi32, #tpu.memory_space<hbm>>
      %dma_wait3A_175 = tpu.memref_squeeze %dma_wait3A_174 : memref<1x4x128xi32, #tpu.memory_space<hbm>> -> memref<4x128xi32, #tpu.memory_space<hbm>>
      %dma_wait3A_176 = arith.constant 0 : i32
      %dma_wait3A_177 = arith.constant 0 : i32
      %dma_wait3A_178 = tpu.memref_slice %arg2[%add3A, %dma_wait3A_176, %dma_wait3A_177] : memref<32x4x128xi32, #tpu.memory_space<hbm>> -> memref<1x4x128xi32, #tpu.memory_space<hbm>>
      %dma_wait3A_179 = tpu.memref_squeeze %dma_wait3A_178 : memref<1x4x128xi32, #tpu.memory_space<hbm>> -> memref<4x128xi32, #tpu.memory_space<hbm>>
      tpu.wait_dma2 semaphore(%run_scoped3A : memref<!tpu.dma_semaphore, #tpu.memory_space<semaphore_mem>>) src(%dma_wait3A_179 : memref<4x128xi32, #tpu.memory_space<hbm>>) dst(%arg7 : memref<4x128xi32, #tpu.memory_space<vmem>>)
      tpu.yield
    }) : () -> ()
    "tpu.region"() ({
      %run_scoped3A = tpu.sem_alloc : memref<!tpu.dma_semaphore, #tpu.memory_space<semaphore_mem>>
      %dma_start3A_164 = arith.constant 0 : i32
      %dma_start3A_165 = arith.constant 0 : i32
      %dma_start3A_166 = tpu.memref_slice %arg3[%add3A, %dma_start3A_164, %dma_start3A_165] : memref<32x4x128xi32, #tpu.memory_space<hbm>> -> memref<1x4x128xi32, #tpu.memory_space<hbm>>
      %dma_start3A_167 = tpu.memref_squeeze %dma_start3A_166 : memref<1x4x128xi32, #tpu.memory_space<hbm>> -> memref<4x128xi32, #tpu.memory_space<hbm>>
      %dma_start3A_168 = arith.constant 0 : i32
      %dma_start3A_169 = arith.constant 0 : i32
      %dma_start3A_170 = tpu.memref_slice %arg3[%add3A, %dma_start3A_168, %dma_start3A_169] : memref<32x4x128xi32, #tpu.memory_space<hbm>> -> memref<1x4x128xi32, #tpu.memory_space<hbm>>
      %dma_start3A_171 = tpu.memref_squeeze %dma_start3A_170 : memref<1x4x128xi32, #tpu.memory_space<hbm>> -> memref<4x128xi32, #tpu.memory_space<hbm>>
      tpu.enqueue_dma source(%dma_start3A_171 : memref<4x128xi32, #tpu.memory_space<hbm>>) target(%arg8 : memref<4x128xi32, #tpu.memory_space<vmem>>) target_semaphore(%run_scoped3A : memref<!tpu.dma_semaphore, #tpu.memory_space<semaphore_mem>>)
      %dma_wait3A_172 = arith.constant 0 : i32
      %dma_wait3A_173 = arith.constant 0 : i32
      %dma_wait3A_174 = tpu.memref_slice %arg3[%add3A, %dma_wait3A_172, %dma_wait3A_173] : memref<32x4x128xi32, #tpu.memory_space<hbm>> -> memref<1x4x128xi32, #tpu.memory_space<hbm>>
      %dma_wait3A_175 = tpu.memref_squeeze %dma_wait3A_174 : memref<1x4x128xi32, #tpu.memory_space<hbm>> -> memref<4x128xi32, #tpu.memory_space<hbm>>
      %dma_wait3A_176 = arith.constant 0 : i32
      %dma_wait3A_177 = arith.constant 0 : i32
      %dma_wait3A_178 = tpu.memref_slice %arg3[%add3A, %dma_wait3A_176, %dma_wait3A_177] : memref<32x4x128xi32, #tpu.memory_space<hbm>> -> memref<1x4x128xi32, #tpu.memory_space<hbm>>
      %dma_wait3A_179 = tpu.memref_squeeze %dma_wait3A_178 : memref<1x4x128xi32, #tpu.memory_space<hbm>> -> memref<4x128xi32, #tpu.memory_space<hbm>>
      tpu.wait_dma2 semaphore(%run_scoped3A : memref<!tpu.dma_semaphore, #tpu.memory_space<semaphore_mem>>) src(%dma_wait3A_179 : memref<4x128xi32, #tpu.memory_space<hbm>>) dst(%arg8 : memref<4x128xi32, #tpu.memory_space<vmem>>)
      tpu.yield
    }) : () -> ()
    %dma_start3A = arith.constant 0 : i32
    %dma_start3A_1 = arith.constant 0 : i32
    %dma_start3A_2 = arith.constant 0 : i32
    %dma_start3A_3 = tpu.memref_slice %arg9[%dma_start3A_1, %dma_start3A_2] : memref<512x32xf32, #tpu.memory_space<vmem>> -> memref<128x32xf32, #tpu.memory_space<vmem>>
    %dma_start3A_4 = arith.constant 0 : i32
    %dma_start3A_5 = tpu.memref_slice %arg7[%dma_start3A, %dma_start3A_4] : memref<4x128xi32, #tpu.memory_space<vmem>> -> memref<1x128xi32, #tpu.memory_space<vmem>>
    %dma_start3A_6 = tpu.memref_squeeze %dma_start3A_5 : memref<1x128xi32, #tpu.memory_space<vmem>> -> memref<128xi32, #tpu.memory_space<vmem>>
    %dma_start3A_7 = arith.constant 0 : i32
    %dma_start3A_8 = arith.constant 0 : i32
    %dma_start3A_9 = tpu.memref_slice %arg4[%dma_start3A_7, %dma_start3A_8] : memref<1000000x32xf32, #tpu.memory_space<hbm>> -> memref<1000000x32xf32, #tpu.memory_space<hbm>>
    tpu.enqueue_indirect_dma source(%dma_start3A_9 : memref<1000000x32xf32, #tpu.memory_space<hbm>>) target(%dma_start3A_3 : memref<128x32xf32, #tpu.memory_space<vmem>>) offsets(%dma_start3A_6 : memref<128xi32, #tpu.memory_space<vmem>>) semaphore(%arg11 : memref<!tpu.dma_semaphore, #tpu.memory_space<semaphore_mem>>)
    %dma_start3A_10 = arith.constant 0 : i32
    %dma_start3A_11 = arith.constant 0 : i32
    %dma_start3A_12 = arith.constant 0 : i32
    %dma_start3A_13 = tpu.memref_slice %arg10[%dma_start3A_11, %dma_start3A_12] : memref<512x32xf32, #tpu.memory_space<vmem>> -> memref<128x32xf32, #tpu.memory_space<vmem>>
    %dma_start3A_14 = arith.constant 0 : i32
    %dma_start3A_15 = tpu.memref_slice %arg8[%dma_start3A_10, %dma_start3A_14] : memref<4x128xi32, #tpu.memory_space<vmem>> -> memref<1x128xi32, #tpu.memory_space<vmem>>
    %dma_start3A_16 = tpu.memref_squeeze %dma_start3A_15 : memref<1x128xi32, #tpu.memory_space<vmem>> -> memref<128xi32, #tpu.memory_space<vmem>>
    %dma_start3A_17 = arith.constant 0 : i32
    %dma_start3A_18 = arith.constant 0 : i32
    %dma_start3A_19 = tpu.memref_slice %arg5[%dma_start3A_17, %dma_start3A_18] : memref<1000000x32xf32, #tpu.memory_space<hbm>> -> memref<1000000x32xf32, #tpu.memory_space<hbm>>
    tpu.enqueue_indirect_dma source(%dma_start3A_19 : memref<1000000x32xf32, #tpu.memory_space<hbm>>) target(%dma_start3A_13 : memref<128x32xf32, #tpu.memory_space<vmem>>) offsets(%dma_start3A_16 : memref<128xi32, #tpu.memory_space<vmem>>) semaphore(%arg11 : memref<!tpu.dma_semaphore, #tpu.memory_space<semaphore_mem>>)
    %dma_start3A_20 = arith.constant 1 : i32
    %dma_start3A_21 = arith.constant 128 : i32
    %dma_start3A_22 = arith.constant 0 : i32
    %dma_start3A_23 = tpu.memref_slice %arg9[%dma_start3A_21, %dma_start3A_22] : memref<512x32xf32, #tpu.memory_space<vmem>> -> memref<128x32xf32, #tpu.memory_space<vmem>>
    %dma_start3A_24 = arith.constant 0 : i32
    %dma_start3A_25 = tpu.memref_slice %arg7[%dma_start3A_20, %dma_start3A_24] : memref<4x128xi32, #tpu.memory_space<vmem>> -> memref<1x128xi32, #tpu.memory_space<vmem>>
    %dma_start3A_26 = tpu.memref_squeeze %dma_start3A_25 : memref<1x128xi32, #tpu.memory_space<vmem>> -> memref<128xi32, #tpu.memory_space<vmem>>
    %dma_start3A_27 = arith.constant 0 : i32
    %dma_start3A_28 = arith.constant 0 : i32
    %dma_start3A_29 = tpu.memref_slice %arg4[%dma_start3A_27, %dma_start3A_28] : memref<1000000x32xf32, #tpu.memory_space<hbm>> -> memref<1000000x32xf32, #tpu.memory_space<hbm>>
    tpu.enqueue_indirect_dma source(%dma_start3A_29 : memref<1000000x32xf32, #tpu.memory_space<hbm>>) target(%dma_start3A_23 : memref<128x32xf32, #tpu.memory_space<vmem>>) offsets(%dma_start3A_26 : memref<128xi32, #tpu.memory_space<vmem>>) semaphore(%arg11 : memref<!tpu.dma_semaphore, #tpu.memory_space<semaphore_mem>>)
    %dma_start3A_30 = arith.constant 1 : i32
    %dma_start3A_31 = arith.constant 128 : i32
    %dma_start3A_32 = arith.constant 0 : i32
    %dma_start3A_33 = tpu.memref_slice %arg10[%dma_start3A_31, %dma_start3A_32] : memref<512x32xf32, #tpu.memory_space<vmem>> -> memref<128x32xf32, #tpu.memory_space<vmem>>
    %dma_start3A_34 = arith.constant 0 : i32
    %dma_start3A_35 = tpu.memref_slice %arg8[%dma_start3A_30, %dma_start3A_34] : memref<4x128xi32, #tpu.memory_space<vmem>> -> memref<1x128xi32, #tpu.memory_space<vmem>>
    %dma_start3A_36 = tpu.memref_squeeze %dma_start3A_35 : memref<1x128xi32, #tpu.memory_space<vmem>> -> memref<128xi32, #tpu.memory_space<vmem>>
    %dma_start3A_37 = arith.constant 0 : i32
    %dma_start3A_38 = arith.constant 0 : i32
    %dma_start3A_39 = tpu.memref_slice %arg5[%dma_start3A_37, %dma_start3A_38] : memref<1000000x32xf32, #tpu.memory_space<hbm>> -> memref<1000000x32xf32, #tpu.memory_space<hbm>>
    tpu.enqueue_indirect_dma source(%dma_start3A_39 : memref<1000000x32xf32, #tpu.memory_space<hbm>>) target(%dma_start3A_33 : memref<128x32xf32, #tpu.memory_space<vmem>>) offsets(%dma_start3A_36 : memref<128xi32, #tpu.memory_space<vmem>>) semaphore(%arg11 : memref<!tpu.dma_semaphore, #tpu.memory_space<semaphore_mem>>)
    %dma_start3A_40 = arith.constant 2 : i32
    %dma_start3A_41 = arith.constant 256 : i32
    %dma_start3A_42 = arith.constant 0 : i32
    %dma_start3A_43 = tpu.memref_slice %arg9[%dma_start3A_41, %dma_start3A_42] : memref<512x32xf32, #tpu.memory_space<vmem>> -> memref<128x32xf32, #tpu.memory_space<vmem>>
    %dma_start3A_44 = arith.constant 0 : i32
    %dma_start3A_45 = tpu.memref_slice %arg7[%dma_start3A_40, %dma_start3A_44] : memref<4x128xi32, #tpu.memory_space<vmem>> -> memref<1x128xi32, #tpu.memory_space<vmem>>
    %dma_start3A_46 = tpu.memref_squeeze %dma_start3A_45 : memref<1x128xi32, #tpu.memory_space<vmem>> -> memref<128xi32, #tpu.memory_space<vmem>>
    %dma_start3A_47 = arith.constant 0 : i32
    %dma_start3A_48 = arith.constant 0 : i32
    %dma_start3A_49 = tpu.memref_slice %arg4[%dma_start3A_47, %dma_start3A_48] : memref<1000000x32xf32, #tpu.memory_space<hbm>> -> memref<1000000x32xf32, #tpu.memory_space<hbm>>
    tpu.enqueue_indirect_dma source(%dma_start3A_49 : memref<1000000x32xf32, #tpu.memory_space<hbm>>) target(%dma_start3A_43 : memref<128x32xf32, #tpu.memory_space<vmem>>) offsets(%dma_start3A_46 : memref<128xi32, #tpu.memory_space<vmem>>) semaphore(%arg11 : memref<!tpu.dma_semaphore, #tpu.memory_space<semaphore_mem>>)
    %dma_start3A_50 = arith.constant 2 : i32
    %dma_start3A_51 = arith.constant 256 : i32
    %dma_start3A_52 = arith.constant 0 : i32
    %dma_start3A_53 = tpu.memref_slice %arg10[%dma_start3A_51, %dma_start3A_52] : memref<512x32xf32, #tpu.memory_space<vmem>> -> memref<128x32xf32, #tpu.memory_space<vmem>>
    %dma_start3A_54 = arith.constant 0 : i32
    %dma_start3A_55 = tpu.memref_slice %arg8[%dma_start3A_50, %dma_start3A_54] : memref<4x128xi32, #tpu.memory_space<vmem>> -> memref<1x128xi32, #tpu.memory_space<vmem>>
    %dma_start3A_56 = tpu.memref_squeeze %dma_start3A_55 : memref<1x128xi32, #tpu.memory_space<vmem>> -> memref<128xi32, #tpu.memory_space<vmem>>
    %dma_start3A_57 = arith.constant 0 : i32
    %dma_start3A_58 = arith.constant 0 : i32
    %dma_start3A_59 = tpu.memref_slice %arg5[%dma_start3A_57, %dma_start3A_58] : memref<1000000x32xf32, #tpu.memory_space<hbm>> -> memref<1000000x32xf32, #tpu.memory_space<hbm>>
    tpu.enqueue_indirect_dma source(%dma_start3A_59 : memref<1000000x32xf32, #tpu.memory_space<hbm>>) target(%dma_start3A_53 : memref<128x32xf32, #tpu.memory_space<vmem>>) offsets(%dma_start3A_56 : memref<128xi32, #tpu.memory_space<vmem>>) semaphore(%arg11 : memref<!tpu.dma_semaphore, #tpu.memory_space<semaphore_mem>>)
    %dma_start3A_60 = arith.constant 3 : i32
    %dma_start3A_61 = arith.constant 384 : i32
    %dma_start3A_62 = arith.constant 0 : i32
    %dma_start3A_63 = tpu.memref_slice %arg9[%dma_start3A_61, %dma_start3A_62] : memref<512x32xf32, #tpu.memory_space<vmem>> -> memref<128x32xf32, #tpu.memory_space<vmem>>
    %dma_start3A_64 = arith.constant 0 : i32
    %dma_start3A_65 = tpu.memref_slice %arg7[%dma_start3A_60, %dma_start3A_64] : memref<4x128xi32, #tpu.memory_space<vmem>> -> memref<1x128xi32, #tpu.memory_space<vmem>>
    %dma_start3A_66 = tpu.memref_squeeze %dma_start3A_65 : memref<1x128xi32, #tpu.memory_space<vmem>> -> memref<128xi32, #tpu.memory_space<vmem>>
    %dma_start3A_67 = arith.constant 0 : i32
    %dma_start3A_68 = arith.constant 0 : i32
    %dma_start3A_69 = tpu.memref_slice %arg4[%dma_start3A_67, %dma_start3A_68] : memref<1000000x32xf32, #tpu.memory_space<hbm>> -> memref<1000000x32xf32, #tpu.memory_space<hbm>>
    tpu.enqueue_indirect_dma source(%dma_start3A_69 : memref<1000000x32xf32, #tpu.memory_space<hbm>>) target(%dma_start3A_63 : memref<128x32xf32, #tpu.memory_space<vmem>>) offsets(%dma_start3A_66 : memref<128xi32, #tpu.memory_space<vmem>>) semaphore(%arg11 : memref<!tpu.dma_semaphore, #tpu.memory_space<semaphore_mem>>)
    %dma_start3A_70 = arith.constant 3 : i32
    %dma_start3A_71 = arith.constant 384 : i32
    %dma_start3A_72 = arith.constant 0 : i32
    %dma_start3A_73 = tpu.memref_slice %arg10[%dma_start3A_71, %dma_start3A_72] : memref<512x32xf32, #tpu.memory_space<vmem>> -> memref<128x32xf32, #tpu.memory_space<vmem>>
    %dma_start3A_74 = arith.constant 0 : i32
    %dma_start3A_75 = tpu.memref_slice %arg8[%dma_start3A_70, %dma_start3A_74] : memref<4x128xi32, #tpu.memory_space<vmem>> -> memref<1x128xi32, #tpu.memory_space<vmem>>
    %dma_start3A_76 = tpu.memref_squeeze %dma_start3A_75 : memref<1x128xi32, #tpu.memory_space<vmem>> -> memref<128xi32, #tpu.memory_space<vmem>>
    %dma_start3A_77 = arith.constant 0 : i32
    %dma_start3A_78 = arith.constant 0 : i32
    %dma_start3A_79 = tpu.memref_slice %arg5[%dma_start3A_77, %dma_start3A_78] : memref<1000000x32xf32, #tpu.memory_space<hbm>> -> memref<1000000x32xf32, #tpu.memory_space<hbm>>
    tpu.enqueue_indirect_dma source(%dma_start3A_79 : memref<1000000x32xf32, #tpu.memory_space<hbm>>) target(%dma_start3A_73 : memref<128x32xf32, #tpu.memory_space<vmem>>) offsets(%dma_start3A_76 : memref<128xi32, #tpu.memory_space<vmem>>) semaphore(%arg11 : memref<!tpu.dma_semaphore, #tpu.memory_space<semaphore_mem>>)
    %dma_wait3A = arith.constant 0 : i32
    %dma_wait3A_80 = arith.constant 0 : i32
    %dma_wait3A_81 = arith.constant 0 : i32
    %dma_wait3A_82 = tpu.memref_slice %arg9[%dma_wait3A_80, %dma_wait3A_81] : memref<512x32xf32, #tpu.memory_space<vmem>> -> memref<128x32xf32, #tpu.memory_space<vmem>>
    %dma_wait3A_83 = arith.constant 0 : i32
    %dma_wait3A_84 = tpu.memref_slice %arg7[%dma_wait3A, %dma_wait3A_83] : memref<4x128xi32, #tpu.memory_space<vmem>> -> memref<1x128xi32, #tpu.memory_space<vmem>>
    %dma_wait3A_85 = tpu.memref_squeeze %dma_wait3A_84 : memref<1x128xi32, #tpu.memory_space<vmem>> -> memref<128xi32, #tpu.memory_space<vmem>>
    %dma_wait3A_86 = arith.constant 0 : i32
    %dma_wait3A_87 = arith.constant 0 : i32
    %dma_wait3A_88 = tpu.memref_slice %arg4[%dma_wait3A_86, %dma_wait3A_87] : memref<1000000x32xf32, #tpu.memory_space<hbm>> -> memref<1000000x32xf32, #tpu.memory_space<hbm>>
    tpu.wait_indirect_dma semaphore(%arg11 : memref<!tpu.dma_semaphore, #tpu.memory_space<semaphore_mem>>) src(%dma_wait3A_88 : memref<1000000x32xf32, #tpu.memory_space<hbm>>) dst(%dma_wait3A_82 : memref<128x32xf32, #tpu.memory_space<vmem>>)
    %dma_wait3A_89 = arith.constant 0 : i32
    %dma_wait3A_90 = arith.constant 0 : i32
    %dma_wait3A_91 = arith.constant 0 : i32
    %dma_wait3A_92 = tpu.memref_slice %arg10[%dma_wait3A_90, %dma_wait3A_91] : memref<512x32xf32, #tpu.memory_space<vmem>> -> memref<128x32xf32, #tpu.memory_space<vmem>>
    %dma_wait3A_93 = arith.constant 0 : i32
    %dma_wait3A_94 = tpu.memref_slice %arg8[%dma_wait3A_89, %dma_wait3A_93] : memref<4x128xi32, #tpu.memory_space<vmem>> -> memref<1x128xi32, #tpu.memory_space<vmem>>
    %dma_wait3A_95 = tpu.memref_squeeze %dma_wait3A_94 : memref<1x128xi32, #tpu.memory_space<vmem>> -> memref<128xi32, #tpu.memory_space<vmem>>
    %dma_wait3A_96 = arith.constant 0 : i32
    %dma_wait3A_97 = arith.constant 0 : i32
    %dma_wait3A_98 = tpu.memref_slice %arg5[%dma_wait3A_96, %dma_wait3A_97] : memref<1000000x32xf32, #tpu.memory_space<hbm>> -> memref<1000000x32xf32, #tpu.memory_space<hbm>>
    tpu.wait_indirect_dma semaphore(%arg11 : memref<!tpu.dma_semaphore, #tpu.memory_space<semaphore_mem>>) src(%dma_wait3A_98 : memref<1000000x32xf32, #tpu.memory_space<hbm>>) dst(%dma_wait3A_92 : memref<128x32xf32, #tpu.memory_space<vmem>>)
    %dma_wait3A_99 = arith.constant 1 : i32
    %dma_wait3A_100 = arith.constant 128 : i32
    %dma_wait3A_101 = arith.constant 0 : i32
    %dma_wait3A_102 = tpu.memref_slice %arg9[%dma_wait3A_100, %dma_wait3A_101] : memref<512x32xf32, #tpu.memory_space<vmem>> -> memref<128x32xf32, #tpu.memory_space<vmem>>
    %dma_wait3A_103 = arith.constant 0 : i32
    %dma_wait3A_104 = tpu.memref_slice %arg7[%dma_wait3A_99, %dma_wait3A_103] : memref<4x128xi32, #tpu.memory_space<vmem>> -> memref<1x128xi32, #tpu.memory_space<vmem>>
    %dma_wait3A_105 = tpu.memref_squeeze %dma_wait3A_104 : memref<1x128xi32, #tpu.memory_space<vmem>> -> memref<128xi32, #tpu.memory_space<vmem>>
    %dma_wait3A_106 = arith.constant 0 : i32
    %dma_wait3A_107 = arith.constant 0 : i32
    %dma_wait3A_108 = tpu.memref_slice %arg4[%dma_wait3A_106, %dma_wait3A_107] : memref<1000000x32xf32, #tpu.memory_space<hbm>> -> memref<1000000x32xf32, #tpu.memory_space<hbm>>
    tpu.wait_indirect_dma semaphore(%arg11 : memref<!tpu.dma_semaphore, #tpu.memory_space<semaphore_mem>>) src(%dma_wait3A_108 : memref<1000000x32xf32, #tpu.memory_space<hbm>>) dst(%dma_wait3A_102 : memref<128x32xf32, #tpu.memory_space<vmem>>)
    %dma_wait3A_109 = arith.constant 1 : i32
    %dma_wait3A_110 = arith.constant 128 : i32
    %dma_wait3A_111 = arith.constant 0 : i32
    %dma_wait3A_112 = tpu.memref_slice %arg10[%dma_wait3A_110, %dma_wait3A_111] : memref<512x32xf32, #tpu.memory_space<vmem>> -> memref<128x32xf32, #tpu.memory_space<vmem>>
    %dma_wait3A_113 = arith.constant 0 : i32
    %dma_wait3A_114 = tpu.memref_slice %arg8[%dma_wait3A_109, %dma_wait3A_113] : memref<4x128xi32, #tpu.memory_space<vmem>> -> memref<1x128xi32, #tpu.memory_space<vmem>>
    %dma_wait3A_115 = tpu.memref_squeeze %dma_wait3A_114 : memref<1x128xi32, #tpu.memory_space<vmem>> -> memref<128xi32, #tpu.memory_space<vmem>>
    %dma_wait3A_116 = arith.constant 0 : i32
    %dma_wait3A_117 = arith.constant 0 : i32
    %dma_wait3A_118 = tpu.memref_slice %arg5[%dma_wait3A_116, %dma_wait3A_117] : memref<1000000x32xf32, #tpu.memory_space<hbm>> -> memref<1000000x32xf32, #tpu.memory_space<hbm>>
    tpu.wait_indirect_dma semaphore(%arg11 : memref<!tpu.dma_semaphore, #tpu.memory_space<semaphore_mem>>) src(%dma_wait3A_118 : memref<1000000x32xf32, #tpu.memory_space<hbm>>) dst(%dma_wait3A_112 : memref<128x32xf32, #tpu.memory_space<vmem>>)
    %dma_wait3A_119 = arith.constant 2 : i32
    %dma_wait3A_120 = arith.constant 256 : i32
    %dma_wait3A_121 = arith.constant 0 : i32
    %dma_wait3A_122 = tpu.memref_slice %arg9[%dma_wait3A_120, %dma_wait3A_121] : memref<512x32xf32, #tpu.memory_space<vmem>> -> memref<128x32xf32, #tpu.memory_space<vmem>>
    %dma_wait3A_123 = arith.constant 0 : i32
    %dma_wait3A_124 = tpu.memref_slice %arg7[%dma_wait3A_119, %dma_wait3A_123] : memref<4x128xi32, #tpu.memory_space<vmem>> -> memref<1x128xi32, #tpu.memory_space<vmem>>
    %dma_wait3A_125 = tpu.memref_squeeze %dma_wait3A_124 : memref<1x128xi32, #tpu.memory_space<vmem>> -> memref<128xi32, #tpu.memory_space<vmem>>
    %dma_wait3A_126 = arith.constant 0 : i32
    %dma_wait3A_127 = arith.constant 0 : i32
    %dma_wait3A_128 = tpu.memref_slice %arg4[%dma_wait3A_126, %dma_wait3A_127] : memref<1000000x32xf32, #tpu.memory_space<hbm>> -> memref<1000000x32xf32, #tpu.memory_space<hbm>>
    tpu.wait_indirect_dma semaphore(%arg11 : memref<!tpu.dma_semaphore, #tpu.memory_space<semaphore_mem>>) src(%dma_wait3A_128 : memref<1000000x32xf32, #tpu.memory_space<hbm>>) dst(%dma_wait3A_122 : memref<128x32xf32, #tpu.memory_space<vmem>>)
    %dma_wait3A_129 = arith.constant 2 : i32
    %dma_wait3A_130 = arith.constant 256 : i32
    %dma_wait3A_131 = arith.constant 0 : i32
    %dma_wait3A_132 = tpu.memref_slice %arg10[%dma_wait3A_130, %dma_wait3A_131] : memref<512x32xf32, #tpu.memory_space<vmem>> -> memref<128x32xf32, #tpu.memory_space<vmem>>
    %dma_wait3A_133 = arith.constant 0 : i32
    %dma_wait3A_134 = tpu.memref_slice %arg8[%dma_wait3A_129, %dma_wait3A_133] : memref<4x128xi32, #tpu.memory_space<vmem>> -> memref<1x128xi32, #tpu.memory_space<vmem>>
    %dma_wait3A_135 = tpu.memref_squeeze %dma_wait3A_134 : memref<1x128xi32, #tpu.memory_space<vmem>> -> memref<128xi32, #tpu.memory_space<vmem>>
    %dma_wait3A_136 = arith.constant 0 : i32
    %dma_wait3A_137 = arith.constant 0 : i32
    %dma_wait3A_138 = tpu.memref_slice %arg5[%dma_wait3A_136, %dma_wait3A_137] : memref<1000000x32xf32, #tpu.memory_space<hbm>> -> memref<1000000x32xf32, #tpu.memory_space<hbm>>
    tpu.wait_indirect_dma semaphore(%arg11 : memref<!tpu.dma_semaphore, #tpu.memory_space<semaphore_mem>>) src(%dma_wait3A_138 : memref<1000000x32xf32, #tpu.memory_space<hbm>>) dst(%dma_wait3A_132 : memref<128x32xf32, #tpu.memory_space<vmem>>)
    %dma_wait3A_139 = arith.constant 3 : i32
    %dma_wait3A_140 = arith.constant 384 : i32
    %dma_wait3A_141 = arith.constant 0 : i32
    %dma_wait3A_142 = tpu.memref_slice %arg9[%dma_wait3A_140, %dma_wait3A_141] : memref<512x32xf32, #tpu.memory_space<vmem>> -> memref<128x32xf32, #tpu.memory_space<vmem>>
    %dma_wait3A_143 = arith.constant 0 : i32
    %dma_wait3A_144 = tpu.memref_slice %arg7[%dma_wait3A_139, %dma_wait3A_143] : memref<4x128xi32, #tpu.memory_space<vmem>> -> memref<1x128xi32, #tpu.memory_space<vmem>>
    %dma_wait3A_145 = tpu.memref_squeeze %dma_wait3A_144 : memref<1x128xi32, #tpu.memory_space<vmem>> -> memref<128xi32, #tpu.memory_space<vmem>>
    %dma_wait3A_146 = arith.constant 0 : i32
    %dma_wait3A_147 = arith.constant 0 : i32
    %dma_wait3A_148 = tpu.memref_slice %arg4[%dma_wait3A_146, %dma_wait3A_147] : memref<1000000x32xf32, #tpu.memory_space<hbm>> -> memref<1000000x32xf32, #tpu.memory_space<hbm>>
    tpu.wait_indirect_dma semaphore(%arg11 : memref<!tpu.dma_semaphore, #tpu.memory_space<semaphore_mem>>) src(%dma_wait3A_148 : memref<1000000x32xf32, #tpu.memory_space<hbm>>) dst(%dma_wait3A_142 : memref<128x32xf32, #tpu.memory_space<vmem>>)
    %dma_wait3A_149 = arith.constant 3 : i32
    %dma_wait3A_150 = arith.constant 384 : i32
    %dma_wait3A_151 = arith.constant 0 : i32
    %dma_wait3A_152 = tpu.memref_slice %arg10[%dma_wait3A_150, %dma_wait3A_151] : memref<512x32xf32, #tpu.memory_space<vmem>> -> memref<128x32xf32, #tpu.memory_space<vmem>>
    %dma_wait3A_153 = arith.constant 0 : i32
    %dma_wait3A_154 = tpu.memref_slice %arg8[%dma_wait3A_149, %dma_wait3A_153] : memref<4x128xi32, #tpu.memory_space<vmem>> -> memref<1x128xi32, #tpu.memory_space<vmem>>
    %dma_wait3A_155 = tpu.memref_squeeze %dma_wait3A_154 : memref<1x128xi32, #tpu.memory_space<vmem>> -> memref<128xi32, #tpu.memory_space<vmem>>
    %dma_wait3A_156 = arith.constant 0 : i32
    %dma_wait3A_157 = arith.constant 0 : i32
    %dma_wait3A_158 = tpu.memref_slice %arg5[%dma_wait3A_156, %dma_wait3A_157] : memref<1000000x32xf32, #tpu.memory_space<hbm>> -> memref<1000000x32xf32, #tpu.memory_space<hbm>>
    tpu.wait_indirect_dma semaphore(%arg11 : memref<!tpu.dma_semaphore, #tpu.memory_space<semaphore_mem>>) src(%dma_wait3A_158 : memref<1000000x32xf32, #tpu.memory_space<hbm>>) dst(%dma_wait3A_152 : memref<128x32xf32, #tpu.memory_space<vmem>>)
    %scan3A = arith.constant 0 : i32
    %scan3A_159 = arith.constant 0 : i32
    %scan3A_160 = arith.constant 512 : i32
    %scan3A_161 = arith.addi %scan3A_159, %scan3A_160 : i32
    %scan3A_162 = arith.constant 1 : i32
    scf.for %scan3A_164 = %scan3A_159 to %scan3A_161 step %scan3A_162  : i32 {
      %get3A = arith.index_cast %scan3A_164 : i32 to index
      %get3A_165 = arith.constant 0 : index
      %get3A_166 = tpu.vector_load %arg9[%get3A, %get3A_165] {strides = array<i32>} : memref<512x32xf32, #tpu.memory_space<vmem>>, vector<1x16xf32>,
      %get3A_167 = vector.shape_cast %get3A_166 : vector<1x16xf32> to vector<16xf32>
      %get3A_168 = arith.index_cast %scan3A_164 : i32 to index
      %get3A_169 = arith.constant 0 : index
      %get3A_170 = tpu.vector_load %arg10[%get3A_168, %get3A_169] {strides = array<i32>} : memref<512x32xf32, #tpu.memory_space<vmem>>, vector<1x16xf32>,
      %get3A_171 = vector.shape_cast %get3A_170 : vector<1x16xf32> to vector<16xf32>
      %mul3A_172 = arith.mulf %get3A_167, %get3A_171 : vector<16xf32>
      %swap3A = arith.index_cast %scan3A_164 : i32 to index
      %swap3A_173 = arith.constant 0 : index
      %swap3A_174 = tpu.vector_load %arg9[%swap3A, %swap3A_173] {strides = array<i32>} : memref<512x32xf32, #tpu.memory_space<vmem>>, vector<1x16xf32>,
      %swap3A_175 = vector.shape_cast %swap3A_174 : vector<1x16xf32> to vector<16xf32>
      %swap3A_176 = vector.shape_cast %mul3A_172 : vector<16xf32> to vector<1x16xf32>
      tpu.vector_store %arg9[%swap3A, %swap3A_173], %swap3A_176 {strides = array<i32>} : memref<512x32xf32, #tpu.memory_space<vmem>>, vector<1x16xf32>,
      %get3A_177 = arith.index_cast %scan3A_164 : i32 to index
      %get3A_178 = arith.constant 16 : index
      %get3A_179 = tpu.vector_load %arg9[%get3A_177, %get3A_178] {strides = array<i32>} : memref<512x32xf32, #tpu.memory_space<vmem>>, vector<1x16xf32>,
      %get3A_180 = vector.shape_cast %get3A_179 : vector<1x16xf32> to vector<16xf32>
      %get3A_181 = arith.index_cast %scan3A_164 : i32 to index
      %get3A_182 = arith.constant 16 : index
      %get3A_183 = tpu.vector_load %arg10[%get3A_181, %get3A_182] {strides = array<i32>} : memref<512x32xf32, #tpu.memory_space<vmem>>, vector<1x16xf32>,
      %get3A_184 = vector.shape_cast %get3A_183 : vector<1x16xf32> to vector<16xf32>
      %mul3A_185 = arith.mulf %get3A_180, %get3A_184 : vector<16xf32>
      %swap3A_186 = arith.index_cast %scan3A_164 : i32 to index
      %swap3A_187 = arith.constant 16 : index
      %swap3A_188 = tpu.vector_load %arg9[%swap3A_186, %swap3A_187] {strides = array<i32>} : memref<512x32xf32, #tpu.memory_space<vmem>>, vector<1x16xf32>,
      %swap3A_189 = vector.shape_cast %swap3A_188 : vector<1x16xf32> to vector<16xf32>
      %swap3A_190 = vector.shape_cast %mul3A_185 : vector<16xf32> to vector<1x16xf32>
      tpu.vector_store %arg9[%swap3A_186, %swap3A_187], %swap3A_190 {strides = array<i32>} : memref<512x32xf32, #tpu.memory_space<vmem>>, vector<1x16xf32>,
    }
    %scan3A_163 = arith.constant 512 : i32
    "tpu.region"() ({
      %run_scoped3A = tpu.sem_alloc : memref<!tpu.dma_semaphore, #tpu.memory_space<semaphore_mem>>
      %dma_start3A_164 = arith.constant 0 : i32
      %dma_start3A_165 = arith.constant 0 : i32
      %dma_start3A_166 = tpu.memref_slice %arg6[%add3A, %dma_start3A_164, %dma_start3A_165] : memref<32x512x32xf32, #tpu.memory_space<hbm>> -> memref<1x512x32xf32, #tpu.memory_space<hbm>>
      %dma_start3A_167 = tpu.memref_squeeze %dma_start3A_166 : memref<1x512x32xf32, #tpu.memory_space<hbm>> -> memref<512x32xf32, #tpu.memory_space<hbm>>
      %dma_start3A_168 = arith.constant 0 : i32
      %dma_start3A_169 = arith.constant 0 : i32
      %dma_start3A_170 = tpu.memref_slice %arg6[%add3A, %dma_start3A_168, %dma_start3A_169] : memref<32x512x32xf32, #tpu.memory_space<hbm>> -> memref<1x512x32xf32, #tpu.memory_space<hbm>>
      %dma_start3A_171 = tpu.memref_squeeze %dma_start3A_170 : memref<1x512x32xf32, #tpu.memory_space<hbm>> -> memref<512x32xf32, #tpu.memory_space<hbm>>
      tpu.enqueue_dma source(%arg9 : memref<512x32xf32, #tpu.memory_space<vmem>>) target(%dma_start3A_171 : memref<512x32xf32, #tpu.memory_space<hbm>>) target_semaphore(%run_scoped3A : memref<!tpu.dma_semaphore, #tpu.memory_space<semaphore_mem>>)
      %dma_wait3A_172 = arith.constant 0 : i32
      %dma_wait3A_173 = arith.constant 0 : i32
      %dma_wait3A_174 = tpu.memref_slice %arg6[%add3A, %dma_wait3A_172, %dma_wait3A_173] : memref<32x512x32xf32, #tpu.memory_space<hbm>> -> memref<1x512x32xf32, #tpu.memory_space<hbm>>
      %dma_wait3A_175 = tpu.memref_squeeze %dma_wait3A_174 : memref<1x512x32xf32, #tpu.memory_space<hbm>> -> memref<512x32xf32, #tpu.memory_space<hbm>>
      %dma_wait3A_176 = arith.constant 0 : i32
      %dma_wait3A_177 = arith.constant 0 : i32
      %dma_wait3A_178 = tpu.memref_slice %arg6[%add3A, %dma_wait3A_176, %dma_wait3A_177] : memref<32x512x32xf32, #tpu.memory_space<hbm>> -> memref<1x512x32xf32, #tpu.memory_space<hbm>>
      %dma_wait3A_179 = tpu.memref_squeeze %dma_wait3A_178 : memref<1x512x32xf32, #tpu.memory_space<hbm>> -> memref<512x32xf32, #tpu.memory_space<hbm>>
      tpu.wait_dma2 semaphore(%run_scoped3A : memref<!tpu.dma_semaphore, #tpu.memory_space<semaphore_mem>>) src(%arg9 : memref<512x32xf32, #tpu.memory_space<vmem>>) dst(%dma_wait3A_179 : memref<512x32xf32, #tpu.memory_space<hbm>>)
      tpu.yield
    }) : () -> ()
    return
  }
}

module attributes {stable_mosaic.version = 14 : i64} {
  func.func @_tc_reduce_body(%arg0: i32, %arg1: memref<2048x32xf32, #tpu.memory_space<vmem>>, %arg2: memref<2048xf32, #tpu.memory_space<vmem>>) attributes {dimension_semantics = [#tpu.dimension_semantics<arbitrary>], iteration_bounds = array<i64: 8>, scalar_prefetch = 0 : i64, scratch_operands = 0 : i64, tpu.core_type = #tpu.core_type<tc>, window_params = [{transform_indices = @transform_0, window_bounds = array<i64: 2048, 32>}, {transform_indices = @transform_1, window_bounds = array<i64: 2048>}]} {
    %get3A = arith.constant 0 : index
    %get3A_0 = arith.constant 0 : index
    %get3A_1 = vector.load %arg1[%get3A, %get3A_0] : memref<2048x32xf32, #tpu.memory_space<vmem>>, vector<2048x32xf32>
    %reduce_sum3A = arith.constant dense<0.000000e+00> : vector<2048xf32>
    %reduce_sum3A_2 = vector.multi_reduction <add>, %get3A_1, %reduce_sum3A [1] : vector<2048x32xf32> to vector<2048xf32>
    %swap3A = arith.constant 0 : index
    %swap3A_3 = vector.load %arg2[%swap3A] : memref<2048xf32, #tpu.memory_space<vmem>>, vector<2048xf32>
    tpu.vector_store %arg2[%swap3A], %reduce_sum3A_2 {strides = array<i32>} : memref<2048xf32, #tpu.memory_space<vmem>>, vector<2048xf32>,
    return
  }
  func.func @transform_0(%arg0: i32) -> (i32, i32) {
    %c0_i32 = arith.constant 0 : i32
    %c0_i32_0 = arith.constant 0 : i32
    return %arg0, %c0_i32 : i32, i32
  }
  func.func @transform_1(%arg0: i32) -> i32 {
    %c0_i32 = arith.constant 0 : i32
    return %arg0 : i32
  }
}

</mosaic_0001>

<sc_bundles>
// kernel: kernel.4.cloned.1.call-start
scs
__scs_entry_jumppad:
0x0: {  	(pc) =	sbr.rel $0x88, $3  }
0x1: {  	(tag) =	ssettag $0x0;
	lr =	simm.s32 $0x1  }
0x2: {  	[smem:$0x3F9D] =	sst lr;
	_ =	strace $0xD0000000  }
0x3: {  	_ = 	snop  }
0x4: {  	_ = 	snop  }
0x5: {  	_ = 	snop  }
0x6: {  	_ = 	snop  }
0x7: {  	_ = 	snop  }
__scs_overlays_trampoline_lowered:
0x8: {  	[smem:$0x3FAC] =	sst s0  }
0x9: {  	[smem:$0x3FAD] =	sst s1  }
0xa: {  	[smem:$0x3FAE] =	sst s2  }
0xb: {  	[smem:$0x3FAF] =	sst s3  }
0xc: {  	[smem:$0x3FB0] =	sst s4  }
0xd: {  	[smem:$0x3FB1] =	sst s5  }
0xe: {  	[smem:$0x3FB2] =	sst s6  }
0xf: {  	[smem:$0x3FB3] =	sst s7  }
0x10: {  	[smem:$0x3FB4] =	sst s8  }
0x11: {  	[smem:$0x3FB5] =	sst s9;
	s0 =	simm.s32 @!p0 $0x0  }
0x12: {  	s1 =	sld [smem:$0x3F9B];
	s0 =	simm.s32 @p0 $0x1  }
0x13: {  	[smem:$0x3FB6] =	sst s0;
	s0 =	simm.s32 @!p1 $0x0  }
0x14: {  	s2 =	sld [smem:$0x3F9A];
	s0 =	simm.s32 @p1 $0x1  }
0x15: {  	[smem:$0x3FB7] =	sst s0;
	s0 =	simm.s32 @!p2 $0x0  }
0x16: {  	s3 =	sld [smem:$0x3FDB];
	s0 =	simm.s32 @p2 $0x1  }
0x17: {  	s4 =	simm.s32 $0x1BF5;
	[smem:$0x3FB9] =	sst s0  }
0x18: {  	s0 =	sld [smem:$0x3F9C];
	_ =	swait.ge [sflag:s4], $0x0  }
0x19: {  	s7 =	sld [smem:$0x3F9D]  }
0x1a: {  	s8 =	sadd.s32 $0xFFFFE003, lr  }
0x1b: {  	s9 =	sadd.s32 $0xFFFFFEF7, lr;
	s5 =	simm.s32 $0xFFFFFFFF;
	p2 =	slt.u32 s8, $0xFFFFF086  }
0x1c: {  	p1 =	slt.u32 s9, $0xF7A;
	s5 =	simm.s32 @!p2 $0x0  }
0x1d: {  	s5 =	simm.s32 @p1 $0x1;
	p0 =	seq.s32 s7, s2  }
0x1e: {  	s7 =	smul.u32 @!p0 $0xF7A, s2;
	p2 =	seq.s32 @!p0 s5, $0x0  }
0x1f: {  	s9 =	smul.u32 $0xF7A, s1;
	s8 =	simm.s32 @!p0 $0x1BF5;
	p2 =	por !p2, p0  }
0x20: {  	[sflag:s8] =	ssyncset.s32 @!p0 $0xFFFFF086;
	s6 =	sadd.s32 @!p0 s3, s7;
	s7 =	simm.s32 @!p0 $0x108  }
0x21: {  	s3 =	sadd.s32 s3, s9;
	s6 =	sadd.s32 @!p0 $0x88, s6;
	s7 =	simm.s32 @p2 $0x1082  }
0x22: {  	[simem:s7], [sflag:s8] =	dma.local @!p0 [hbm:s6], $0xF7A  }
0x23: {  	s9 =	sor.u32 $0xD0000000, s2;
	s6 =	simm.s32 $0x108;
	_ =	swait.ge @!p0 [sflag:s8], $0x0  }
0x24: {  	s3 =	sadd.s32 $0x88, s3;
	s6 =	simm.s32 @!p1 $0x1082;
	[sflag:s4] =	ssyncset.s32 $0xFFFFF086  }
0x25: {  	[simem:s6], [sflag:s4] =	dma.local [hbm:s3], $0xF7A  }
0x26: {  	[smem:$0x3F9D] =	sst s1;
	(tag) =	ssettag s2;
	_ =	strace s9  }
0x27: {  	s1 =	sld [smem:$0x3FAD]  }
0x28: {  	s2 =	sld [smem:$0x3FAE]  }
0x29: {  	s4 =	sld [smem:$0x3FB0]  }
0x2a: {  	p0 =	seq.s32 s5, $0x0;
	s5 =	sld [smem:$0x3FB1]  }
0x2b: {  	s6 =	sld [smem:$0x3FB2]  }
0x2c: {  	s7 =	sld [smem:$0x3FB3]  }
0x2d: {  	s3 =	simm.s32 $0x108;
	s8 =	sld [smem:$0x3FB4]  }
0x2e: {  	s3 =	simm.s32 @!p0 $0x1082;
	s9 =	sld [smem:$0x3FB5]  }
0x2f: {  	lr =	sadd.s32 s0, s3;
	s0 =	sld [smem:$0x3FAC]  }
0x30: {  	s3 =	sld [smem:$0x3FAF]  }
0x31: {  	[smem:$0x3FB8] =	sst s10  }
0x32: {  	s10 =	sld [smem:$0x3FB6];
	_ =	sdelay $0x3  }
0x33: {  	p0 =	seq.s32 s10, $0x1;
	s10 =	sld [smem:$0x3FB8];
	_ =	sdelay $0x3  }
0x34: {  	[smem:$0x3FB8] =	sst s10  }
0x35: {  	s10 =	sld [smem:$0x3FB7];
	_ =	sdelay $0x3  }
0x36: {  	p1 =	seq.s32 s10, $0x1;
	s10 =	sld [smem:$0x3FB8];
	_ =	sdelay $0x3  }
0x37: {  	[smem:$0x3FB8] =	sst s10  }
0x38: {  	s10 =	sld [smem:$0x3FB9]  }
0x39: {  	_ = 	snop;
	(pc) =	sbr.ind lr, $3  }
0x3a: {  	_ = 	snop  }
0x3b: {  	_ = 	snop  }
0x3c: {  	p2 =	seq.s32 s10, $0x1;
	s10 =	sld [smem:$0x3FB8]  }
0x3d: {  	_ =	shalt  }
0x3e: {  	_ =	shalt  }
0x3f: {  	_ =	shalt  }
0x40: {  	_ =	shalt  }
0x41: {  	_ =	shalt  }
0x42: {  	_ =	shalt  }
0x43: {  	_ =	shalt  }
0x44: {  	_ =	shalt  }
0x45: {  	_ =	shalt  }
0x46: {  	_ =	shalt  }
0x47: {  	_ =	shalt  }
0x48: {  	_ =	shalt  }
0x49: {  	_ =	shalt  }
0x4a: {  	_ =	shalt  }
0x4b: {  	_ =	shalt  }
0x4c: {  	_ =	shalt  }
0x4d: {  	_ =	shalt  }
0x4e: {  	_ =	shalt  }
0x4f: {  	_ =	shalt  }
0x50: {  	_ =	shalt  }
0x51: {  	_ =	shalt  }
0x52: {  	_ =	shalt  }
0x53: {  	_ =	shalt  }
0x54: {  	_ =	shalt  }
0x55: {  	_ =	shalt  }
0x56: {  	_ =	shalt  }
0x57: {  	_ =	shalt  }
0x58: {  	_ =	shalt  }
0x59: {  	_ =	shalt  }
0x5a: {  	_ =	shalt  }
0x5b: {  	_ =	shalt  }
0x5c: {  	_ =	shalt  }
0x5d: {  	_ =	shalt  }
0x5e: {  	_ =	shalt  }
0x5f: {  	_ =	shalt  }
0x60: {  	_ =	shalt  }
0x61: {  	_ =	shalt  }
0x62: {  	_ =	shalt  }
0x63: {  	_ =	shalt  }
0x64: {  	_ =	shalt  }
0x65: {  	_ =	shalt  }
0x66: {  	_ =	shalt  }
0x67: {  	_ =	shalt  }
0x68: {  	_ =	shalt  }
0x69: {  	_ =	shalt  }
0x6a: {  	_ =	shalt  }
0x6b: {  	_ =	shalt  }
0x6c: {  	_ =	shalt  }
0x6d: {  	_ =	shalt  }
0x6e: {  	_ =	shalt  }
0x6f: {  	_ =	shalt  }
0x70: {  	_ =	shalt  }
0x71: {  	_ =	shalt  }
0x72: {  	_ =	shalt  }
0x73: {  	_ =	shalt  }
0x74: {  	_ =	shalt  }
0x75: {  	_ =	shalt  }
0x76: {  	_ =	shalt  }
0x77: {  	_ =	shalt  }
0x78: {  	_ =	shalt  }
0x79: {  	_ =	shalt  }
0x7a: {  	_ =	shalt  }
0x7b: {  	_ =	shalt  }
0x7c: {  	_ =	shalt  }
0x7d: {  	_ =	shalt  }
0x7e: {  	_ =	shalt  }
0x7f: {  	_ =	shalt  }
0x80: {  	_ =	shalt  }
0x81: {  	_ =	shalt  }
0x82: {  	_ =	shalt  }
0x83: {  	_ =	shalt  }
0x84: {  	_ =	shalt  }
0x85: {  	_ =	shalt  }
0x86: {  	_ =	shalt  }
0x87: {  	_ =	shalt  }
.Lfunc_end0:
.L_simem_size_0:
called_computation_lowered:
.L_overlay_start_0:
0x88: {  	s2 =	sld [smem:$0x3FD9]  }
0x89: {  	s3 =	sld [smem:$0x3FFE];
	_ =	sdelay $0x1  }
0x8a: {  	s1 =	srdreg.scid  }
0x8b: {  	s0 =	sand.u32 $0x1, s1  }
0x8c: {  	s17 =	sshll.u32 s0, $0xA;
	s2 =	sadd.s32 s3, s2  }
0x8d: {  	s2 =	sadd.s32 s2, s17  }
0x8e: {  	[smem:$0x3FC4] =	sst s2  }
0x8f: {  	_ = 	snop  }
0x90: {  	s2 =	sld [smem:$0x3FC9]  }
0x91: {  	s18 =	sld [smem:$0x3FC8];
	(tm) =	ssettm $0x1  }
0x92: {  	s4 =	sld [smem:$0x3FFB];
	_ =	sdelay $0x3  }
0x93: {  	_ =	strace s4  }
0x94: {  	s4 =	sld [smem:$0x3FFC];
	_ =	sdelay $0x3  }
0x95: {  	_ =	strace s4  }
0x96: {  	s4 =	sld [smem:$0x3FFD];
	_ =	sdelay $0x3  }
0x97: {  	_ =	strace s4  }
0x98: {  	_ =	strace $0x8FFFFFFF  }
0x99: {  	s19 =	sld [smem:$0x3FDB];
	_ =	sdelay $0x1  }
0x9a: {  	s5 =	simm.s32 $_scs_section_size  }
0x9b: {  	s6 =	simm.s32 $_size__tile_overlayer_lowered;
	s7 =	simm.s32 $_tile_overlayer_lowered  }
0x9c: {  	s22 =	simm.s32 $0x1BFF;
	s21 =	sshll.u32 s7, $0x1;
	s4 =	sadd.s32 s5, s19  }
0x9d: {  	s8 =	simm.s32 $0x0;
	s20 =	sshll.u32 s6, $0x1;
	s6 =	sadd.s32 s21, s4  }
0x9e: {  	[timem:s8], [sflag:s22] =	dma.local [hbm:s6], s20  }
0x9f: {  	_ =	swait.ge [sflag:s22], s20  }
0xa0: {  	s5 =	ssub.s32 $0x0, s20;
	[sflag:s22] =	ssyncset.done $0x0  }
0xa1: {  	[sflag:s22] =	ssyncadd.s32 s5;
	_ =	sdelay $0x1  }
0xa2: {  	s23 =	simm.s32 $0x1B8B  }
0xa3: {  	_ =	swait.ge [sflag:s23], $0x1  }
0xa4: {  	[sflag:s23] =	ssyncset.done $0x0  }
0xa5: {  	s25 =	simm.s32 $0x1B8E;
	s24 =	sld [smem:$0x3FFE];
	[sflag:s23] =	ssyncadd.s32 $0xFFFFFFFF  }
0xa6: {  	s26 =	simm.s32 $execute0_lowered;
	[smem:$0x3FD2] =	sst s25  }
0xa7: {  	s6 =	sshll.u32 s26, $0x1;
	_ =	strace $0x80000046;
	[dreg:$0x1] =	wrdreg $0xFFFFFFFF  }
0xa8: {  	s28 =	simm.s32 $_size_execute0_lowered;
	s4 =	sadd.s32 s4, s6;
	[dreg:$0x0] =	wrdreg $0x0  }
0xa9: {  	s6 =	sshll.u32 s28, $0x1;
	[dreg:$0x2] =	wrdreg s4  }
0xaa: {  	[dreg:$0x3] =	wrdreg s6  }
0xab: {  	[dreg:$0x4] =	wrdreg $0xC0  }
0xac: {  	_ =	task [dreg:s8], $0x5FFFF  }
0xad: {  	[dreg:$0x1] =	wrdreg $0xFFFFFFFF  }
0xae: {  	[dreg:$0x0] =	wrdreg $0x60  }
0xaf: {  	[dreg:$0x2] =	wrdreg s2  }
0xb0: {  	[dreg:$0x3] =	wrdreg s18  }
0xb1: {  	[dreg:$0x4] =	wrdreg s24  }
0xb2: {  	[dreg:$0x5] =	wrdreg $0x9  }
0xb3: {  	_ =	task.clear_ibuf [dreg:s8], $0x6FFFF;
	_ =	strace $0x90000046  }
0xb4: {  	s29 =	simm.s32 $0x9;
	_ =	strace $0x80000048  }
0xb5: {  	_ =	swait.ge [sflag:s29], $0x1  }
0xb6: {  	[sflag:s29] =	ssyncadd.s32 $0xFFFFFFFF  }
0xb7: {  	_ =	strace $0x90000048  }
0xb8: {  	_ =	sfence  }
0xb9: {  	s30 =	sld [smem:$0x0];
	_ =	sdelay $0x2  }
0xba: {  	s31 =	sshll.u32 s1, $0xD;
	s1 =	sshrl.u32 s1, $0x2  }
0xbb: {  	s3 =	sand.u32 $0x4000, s31;
	s1 =	sadd.s32 s1, s30  }
0xbc: {  	s0 =	sor.u32 s3, s0;
	s1 =	sshll.u32 s1, $0x11  }
0xbd: {  	s0 =	sor.u32 s1, s0  }
0xbe: {  	s0 =	sadd.s32 $0x8F2B, s0  }
0xbf: {  	[sflag:s0] =	ssyncadd.remote.s32 $0x1  }
0xc0: {  	_ =	sfence.sel $0xFFFF  }
0xc1: {  	[dreg:$0x0] =	wrdreg $0xFFFFFFFF;
	(pc) =	sbr.abs _section_cstart, $3  }
0xc2: {  	[dreg:$0x1] =	wrdreg $0xFFFFFFFF  }
0xc3: {  	_ =	task.clear_ibuf [dreg:s8], $0x2FFFF;
	_ =	strace $0x9FFFFFFF  }
0xc4: {  	(tm) =	ssettm $0x7FFFFFFF  }
0xc5: {  	_ =	shalt  }
tec
execute0_lowered:
.L_overlay_start_1:
0x0: {  	(tag) =	ssettag $0x1  }
0x1: {  	s5 =	rddreg [dreg:$0x0]  }
0x2: {  	s6 =	rddreg [dreg:$0x1]  }
0x3: {  	s7 =	rddreg [dreg:$0x2]  }
0x4: {  	s0 =	rddreg [dreg:$0x3];
	s2 =	simm.s32 $0x0;
	s4 =	srdreg.scid  }
0x5: {  	s1 =	stileid.u32;
	s12 =	simm.s32 $0x400;
	s13 =	simm.s32 $0x4400  }
0x6: {  	s14 =	simm.s32 $0x1400;
	s15 =	simm.s32 $0x280;
	s16 =	simm.s32 $0x5400  }
0x7: {  	s17 =	simm.s32 $0x100;
	s18 =	simm.s32 $0x2400;
	s19 =	simm.s32 $0x300  }
0x8: {  	s20 =	simm.s32 $0x6400;
	s21 =	simm.s32 $0x180;
	s22 =	simm.s32 $0x3400  }
0x9: {  	s23 =	simm.s32 $0x380;
	s24 =	simm.s32 $0x7400;
	s25 =	simm.s32 $0x1  }
0xa: {  	s26 =	simm.s32 $0x0;
	[smem:$0x7FF] =	sst s2;
	s3 =	sadd.s32 $0xF42800, s7  }
0xb: {  	s8 =	sand.u32 $0x1, s4;
	s9 =	sshll.u32 s1, $0x1;
	s4 =	sadd.s32 $0x1313200, s7  }
0xc: {  	_ =	strace $0x80000047;
	s9 =	sor.u32 s8, s9;
	s8 =	ssub.s32 $0x2, s8  }
0xd: {  	s10 =	sshll.u32 s9, $0xB;
	s11 =	sshrl.u32 s8, $0x1;
	s9 =	sshll.u32 s9, $0x6  }
0xe: {  	s7 =	sadd.s32 s10, s7;
	s8 =	ssub.s32 s8, s11;
	s5 =	sadd.s32 s5, s9  }
0xf: {  	s6 =	sadd.s32 s6, s9;
	s9 =	simm.s32 $0x2;
	s10 =	simm.s32 $0x200  }
0x10: {  	s11 =	simm.s32 $0x80;
	s7 =	sadd.s32 $0x400, s7;
	s8 =	smax.u32 s8, $0x1  }
.LBB2_1:
0x11: {  	[tilespmem:s2], [sflag:$0x2] =	stream.linear.gather [hbm4b:s5+s2], $0x200, $0x38;
	[tilespmem:$0x8400] =	vst v63  }
0x12: {  	_ =	swait.ge [sflag:s9], $0x200  }
0x13: {  	[sflag:s9] =	ssyncset.done $0x0  }
0x14: {  	[sflag:s9] =	ssyncadd.s32 $0xFFFFFE00  }
0x15: {  	[tilespmem:s10], [sflag:$0x2] =	stream.linear.gather [hbm4b:s6+s2], $0x200, $0x38;
	[tilespmem:$0x8400] =	vst v63  }
0x16: {  	_ =	swait.ge [sflag:s9], $0x200  }
0x17: {  	[sflag:s9] =	ssyncset.done $0x0  }
0x18: {  	[sflag:s9] =	ssyncadd.s32 $0xFFFFFE00  }
0x19: {  	[tilespmem:s12], [sflag:$0x1] =	stream.indirect.gather [hbm4b:s3+s11], $0x20, s2, s11, $0xb8;
	[tilespmem:$0x8400] =	vst v63  }
0x1a: {  	_ = 	snop  }
0x1b: {  	[tilespmem:s13], [sflag:$0x1] =	stream.indirect.gather [hbm4b:s4+s11], $0x20, s10, s11, $0xb8;
	[tilespmem:$0x8400] =	vst v63  }
0x1c: {  	_ = 	snop  }
0x1d: {  	[tilespmem:s14], [sflag:$0x1] =	stream.indirect.gather [hbm4b:s3+s11], $0x20, s11, s11, $0xb8;
	[tilespmem:$0x8400] =	vst v63  }
0x1e: {  	_ = 	snop  }
0x1f: {  	[tilespmem:s16], [sflag:$0x1] =	stream.indirect.gather [hbm4b:s4+s11], $0x20, s15, s11, $0xb8;
	[tilespmem:$0x8400] =	vst v63  }
0x20: {  	_ = 	snop  }
0x21: {  	[tilespmem:s18], [sflag:$0x1] =	stream.indirect.gather [hbm4b:s3+s11], $0x20, s17, s11, $0xb8;
	[tilespmem:$0x8400] =	vst v63  }
0x22: {  	_ = 	snop  }
0x23: {  	[tilespmem:s20], [sflag:$0x1] =	stream.indirect.gather [hbm4b:s4+s11], $0x20, s19, s11, $0xb8;
	[tilespmem:$0x8400] =	vst v63  }
0x24: {  	_ = 	snop  }
0x25: {  	[tilespmem:s22], [sflag:$0x1] =	stream.indirect.gather [hbm4b:s3+s11], $0x20, s21, s11, $0xb8;
	[tilespmem:$0x8400] =	vst v63  }
0x26: {  	_ = 	snop  }
0x27: {  	[tilespmem:s24], [sflag:$0x1] =	stream.indirect.gather [hbm4b:s4+s11], $0x20, s23, s11, $0xb8;
	[tilespmem:$0x8400] =	vst v63  }
0x28: {  	_ =	swait.ge [sflag:s25], $0x1000  }
0x29: {  	[sflag:s25] =	ssyncset.done $0x0  }
0x2a: {  	[sflag:s25] =	ssyncadd.s32 $0xFFFFF000  }
0x2b: {  	_ =	swait.ge [sflag:s25], $0x1000  }
0x2c: {  	[sflag:s25] =	ssyncset.done $0x0  }
0x2d: {  	[sflag:s25] =	ssyncadd.s32 $0xFFFFF000  }
0x2e: {  	_ =	swait.ge [sflag:s25], $0x1000  }
0x2f: {  	[sflag:s25] =	ssyncset.done $0x0  }
0x30: {  	[sflag:s25] =	ssyncadd.s32 $0xFFFFF000  }
0x31: {  	_ =	swait.ge [sflag:s25], $0x1000  }
0x32: {  	[sflag:s25] =	ssyncset.done $0x0  }
0x33: {  	[sflag:s25] =	ssyncadd.s32 $0xFFFFF000  }
0x34: {  	_ =	swait.ge [sflag:s25], $0x1000  }
0x35: {  	[sflag:s25] =	ssyncset.done $0x0  }
0x36: {  	[sflag:s25] =	ssyncadd.s32 $0xFFFFF000  }
0x37: {  	_ =	swait.ge [sflag:s25], $0x1000  }
0x38: {  	[sflag:s25] =	ssyncset.done $0x0  }
0x39: {  	[sflag:s25] =	ssyncadd.s32 $0xFFFFF000  }
0x3a: {  	_ =	swait.ge [sflag:s25], $0x1000  }
0x3b: {  	[sflag:s25] =	ssyncset.done $0x0  }
0x3c: {  	[sflag:s25] =	ssyncadd.s32 $0xFFFFF000  }
0x3d: {  	_ =	swait.ge [sflag:s25], $0x1000  }
0x3e: {  	[sflag:s25] =	ssyncset.done $0x0  }
0x3f: {  	s28 =	simm.s32 $0x0;
	[sflag:s25] =	ssyncadd.s32 $0xFFFFF000  }
0x40: {  	v0 =	vld [tilespmem:s28+$0x4400]  }
0x41: {  	v1 =	vld [tilespmem:s28+$0x4410]  }
0x42: {  	s29 =	simm.s32 $0x80;
	v2 =	vld [tilespmem:s28+$0x400]  }
.LBB2_2:
0x43: {  	p0 =	sne.s32 s29, $0xFF80;
	v3 =	vld [tilespmem:s28+$0x410];
	_ =	sdelay $0x2  }
.Ltmp0:
0x44: {  	(pc) =	sbr.rel @p0 .LBB2_2-.Ltmp0, $4  }
0x45: {  	s30 =	sshra.s32 s29, $0x2;
	v2 =	vmul.f32 v0, v2  }
0x46: {  	v0 =	vld [tilespmem:s30+$0x4400];
	v3 =	vmul.f32 v1, v3  }
0x47: {  	v1 =	vld [tilespmem:s30+$0x4410];
	[tilespmem:s28+$0x400] =	vst v2  }
0x48: {  	s29 =	sadd.s32 $0x80, s29;
	v2 =	vld [tilespmem:s30+$0x400];
	[tilespmem:s28+$0x410] =	vst v3;
	s28 =	smov.u32 s30  }
0x49: {  	v3 =	vld [tilespmem:s28+$0x410];
	_ =	sdelay $0x3  }
0x4a: {  	v0 =	vmul.f32 v0, v2  }
0x4b: {  	s26 =	sadd.s32 $0x1, s26;
	v1 =	vmul.f32 v1, v3  }
0x4c: {  	p0 =	sne.s32 s26, s8;
	[tilespmem:s28+$0x400] =	vst v0  }
.Ltmp1:
0x4d: {  	[tilespmem:s28+$0x410] =	vst v1;
	(pc) =	sbr.rel @p0 .LBB2_1-.Ltmp1, $4  }
0x4e: {  	[hbm4b:s7+s2] =	stream.linear.scatter [tilespmem:s12], [sflag:$0x2], $0x4000, $0x38;
	[tilespmem:$0x8400] =	vst v63  }
0x4f: {  	_ =	swait.ge [sflag:s9], $0x4000  }
0x50: {  	[sflag:s9] =	ssyncset.done $0x0  }
0x51: {  	[sflag:s9] =	ssyncadd.s32 $0xFFFFC000  }
0x52: {  	_ =	sfence.sel $0x180000  }
0x53: {  	[bflag:$0x0] =	sbarrier.arrive $0xFFFF  }
0x54: {  	p0 =	sne.s32 s1, $0x0;
	_ =	strace $0x90000047  }
0x55: {  	s0 =	sadd.s32 @!p0 $0x100000, s0;
	[bflag:$0x2] =	sbarrier.arrive $0xFFFF  }
0x56: {  	[sflag:s0] =	ssyncadd.tile.s32 @!p0 $0x1;
	_ =	shalt  }
.Lfunc_end2:
_tile_overlayer_lowered:
.L_overlay_start_2:
0x57: {  	(tag) =	ssettag $0x2  }
0x58: {  	s0 =	rddreg [dreg:$0x0];
	s2 =	stileid.u32  }
0x59: {  	s1 =	rddreg [dreg:$0x1];
	p0 =	sne.s32 s2, $0x0  }
0x5a: {  	s3 =	rddreg [dreg:$0x2];
	[bflag:$0x3] =	sbarrier.arrive $0xFFFF;
	s2 =	simm.s32 @!p0 $0x1C02  }
0x5b: {  	[timem:s3], [sflag:s2] =	dma.local @!p0 [hbm:s0], s1  }
0x5c: {  	s0 =	simm.s32 @!p0 $0x2  }
0x5d: {  	_ =	swait.ge @!p0 [sflag:s0], s1  }
0x5e: {  	s1 =	ssub.s32 @!p0 $0x0, s1;
	[sflag:s0] =	ssyncset.done @!p0 $0x0  }
0x5f: {  	[sflag:s0] =	ssyncadd.s32 @!p0 s1  }
0x60: {  	[bflag:$0x3] =	sbarrier.arrive $0xFFFF  }
0x61: {  	_ =	shalt  }

</sc_bundles>
